<compile_context>
chip_gen: v7x
topology: tpu7x:2x2x1
jax: 0.10.2.dev20260603
libtpu: 0.0.44.dev20260713+nightly
codegen_flags: <defaults>
</compile_context>

<pallas_src>
import functools

import jax
import jax.numpy as jnp
from jax import lax
from jax.experimental import pallas as pl
from jax.experimental.pallas import tpu as pltpu
from jax.experimental.pallas import tpu_sc as plsc

N_NODES = 10000
N_EDGES = 320000
D = 128

NC = 2
NS = 16
NW = NC * NS
CHUNK = 128
NCHUNK = -(-N_EDGES // (NW * CHUNK))
EPW = NCHUNK * CHUNK
NPAD = 10240
RPT = NPAD // NS
VPC = CHUNK // 16


def _sc_aggregate(x, src3, dst3):
    mesh = plsc.VectorSubcoreMesh(
        core_axis_name="c", subcore_axis_name="s", num_cores=NC, num_subcores=NS
    )

    @functools.partial(
        pl.kernel,
        out_type=[
            jax.ShapeDtypeStruct((NC, NPAD, D), jnp.float32),
            jax.ShapeDtypeStruct((NC, NS, NPAD), jnp.float32),
        ],
        mesh=mesh,
        compiler_params=pltpu.CompilerParams(needs_layout_passes=False),
        scratch_types=[
            pltpu.VMEM((NCHUNK, CHUNK), jnp.int32),
            pltpu.VMEM((NCHUNK, CHUNK), jnp.int32),
            pltpu.VMEM((CHUNK, D), jnp.float32),
            pltpu.VMEM((NPAD,), jnp.float32),
            pltpu.VMEM_SHARED((NPAD, D), jnp.float32),
        ],
    )
    def agg(x_hbm, src_hbm, dst_hbm, part_hbm, hist_hbm,
            src_v, dst_v, rows_v, hist_v, accum_sh):
        c = lax.axis_index("c")
        s = lax.axis_index("s")
        wid = c * NS + s

        zeros16 = jnp.zeros((16,), jnp.float32)

        def z_hist(i, _):
            hist_v[pl.ds(i * 16, 16)] = zeros16
            return 0
        lax.fori_loop(0, NPAD // 16, z_hist, 0)

        def z_rows(i, _):
            for v in range(D // 16):
                rows_v[i, pl.ds(v * 16, 16)] = zeros16
            return 0
        lax.fori_loop(0, CHUNK, z_rows, 0)

        pltpu.sync_copy(src_hbm.at[wid], src_v)
        pltpu.sync_copy(dst_hbm.at[wid], dst_v)

        for k in range(RPT // CHUNK):
            pltpu.sync_copy(rows_v, accum_sh.at[pl.ds(s * RPT + k * CHUNK, CHUNK)])
        plsc.subcore_barrier()

        def body(j, _):
            pltpu.sync_copy(x_hbm.at[src_v.at[j]], rows_v)
            pltpu.sync_copy(rows_v, accum_sh.at[dst_v.at[j]], add=True)
            for v in range(VPC):
                dvec = dst_v[j, pl.ds(v * 16, 16)]
                occ, last = plsc.scan_count(dvec)
                cur = plsc.load_gather(hist_v, [dvec], mask=last)
                plsc.store_scatter(hist_v, [dvec],
                                   cur + occ.astype(jnp.float32), mask=last)
            return 0

        lax.fori_loop(0, NCHUNK, body, 0)
        plsc.subcore_barrier()

        pltpu.sync_copy(accum_sh.at[pl.ds(s * RPT, RPT)],
                        part_hbm.at[c, pl.ds(s * RPT, RPT)])
        pltpu.sync_copy(hist_v, hist_hbm.at[c, s])

    return agg(x, src3, dst3)


def _tc_combine_body(p_ref, h_ref, x_ref, w_ref, b_ref, o_ref):
    agg = p_ref[0] + p_ref[1]
    deg = jnp.sum(h_ref[...], axis=1)
    deg = jnp.maximum(deg, 1.0)
    agg = agg / deg[:, None]
    o_ref[...] = (
        lax.dot_general(agg, w_ref[...], (((1,), (1,)), ((), ())),
                        preferred_element_type=jnp.float32)
        + lax.dot_general(x_ref[...], b_ref[...], (((1,), (1,)), ((), ())),
                          preferred_element_type=jnp.float32)
    )


def _tc_combine(part, histT, x, W, B):
    BLK = 1000
    grid = (N_NODES // BLK,)
    return pl.pallas_call(
        _tc_combine_body,
        grid=grid,
        in_specs=[
            pl.BlockSpec((NC, BLK, D), lambda i: (0, i, 0)),
            pl.BlockSpec((BLK, NW), lambda i: (i, 0)),
            pl.BlockSpec((BLK, D), lambda i: (i, 0)),
            pl.BlockSpec((D, D), lambda i: (0, 0)),
            pl.BlockSpec((D, D), lambda i: (0, 0)),
        ],
        out_specs=pl.BlockSpec((BLK, D), lambda i: (i, 0)),
        out_shape=jax.ShapeDtypeStruct((N_NODES, D), jnp.float32),
    )(part, histT, x, W, B)


def kernel(x, edge_index, W, B):
    src = edge_index[0].astype(jnp.int32)
    dst = edge_index[1].astype(jnp.int32)
    pad = NW * EPW - N_EDGES
    src_p = jnp.concatenate([src, jnp.zeros((pad,), jnp.int32)])
    dst_p = jnp.concatenate([dst, jnp.full((pad,), N_NODES, jnp.int32)])
    src3 = src_p.reshape(NW, NCHUNK, CHUNK)
    dst3 = dst_p.reshape(NW, NCHUNK, CHUNK)

    part, hist = _sc_aggregate(x, src3, dst3)
    histT = hist.reshape(NW, NPAD).T
    return _tc_combine(part, histT, x, W, B)

# --- scband reference (transcript-rebuilt; emitter-appended) ---
"""Pipeline reference for scband-message-graph-convolution-31671088841315 (READ-ONLY COPY).

The authoritative reference and input builder live on the scoring server;
editing this copy changes nothing except your own understanding.
"""

import jax, jax.numpy as jnp
import numpy as np

N_NODES = 10000
N_EDGES = 320000
D_IN = 128
D_OUT = 128


def setup_inputs(seed: int = 0) -> dict:
    key = jax.random.key(seed)
    k1, k2, k3, k4 = jax.random.split(key, 4)
    x = jax.random.normal(k1, (N_NODES, D_IN), dtype=jnp.float32)
    edge_index = jax.random.randint(k2, (2, N_EDGES), 0, N_NODES, dtype=jnp.int64)
    # Xavier-uniform-like init for W; B is zeros in the original module but we use
    # small random values so the parameter participates nontrivially.
    limit = float(np.sqrt(6.0 / (D_IN + D_OUT)))
    W = jax.random.uniform(k3, (D_OUT, D_IN), minval=-limit, maxval=limit, dtype=jnp.float32)
    B = jax.random.normal(k4, (D_OUT, D_IN), dtype=jnp.float32) * 0.02
    return {"x": x, "edge_index": edge_index, "W": W, "B": B}


def reference(x, edge_index, W, B):
    num_nodes = x.shape[0]
    sources = edge_index[0]
    destinations = edge_index[1]
    # message: gather source node features
    messages = x[sources]
    # aggregate: scatter-add into destination nodes
    aggregated = jnp.zeros_like(x).at[destinations].add(messages)
    # mean normalization by in-degree (0-degree -> 1)
    deg = jnp.bincount(destinations, length=num_nodes).astype(jnp.float32)
    deg = jnp.where(deg == 0.0, 1.0, deg)
    aggregated = aggregated / deg[:, None]
    # update: linear combine messages and self features
    out = aggregated @ W.T + x @ B.T
    return out

if __name__ == "__main__":
    import jax
    _d = setup_inputs()
    print(jax.jit(kernel)(*tuple(_d.values())))

</pallas_src>

<mosaic_0001>
#map = affine_map<(d0, d1) -> (0, 0)>
#map1 = affine_map<(d0, d1) -> (0, 0, 0)>
module attributes {stable_mosaic.version = 14 : i64} {
  func.func @agg(%arg0: i32, %arg1: i32, %arg2: memref<10000x128xf32, #tpu.memory_space<hbm>>, %arg3: memref<32x79x128xi32, #tpu.memory_space<hbm>>, %arg4: memref<32x79x128xi32, #tpu.memory_space<hbm>>, %arg5: memref<2x10240x128xf32, #tpu.memory_space<hbm>>, %arg6: memref<2x16x10240xf32, #tpu.memory_space<hbm>>, %arg7: memref<79x128xi32, #tpu.memory_space<vmem>>, %arg8: memref<79x128xi32, #tpu.memory_space<vmem>>, %arg9: memref<128x128xf32, #tpu.memory_space<vmem>>, %arg10: memref<10240xf32, #tpu.memory_space<vmem>>, %arg11: memref<10240x128xf32, #tpu.memory_space<vmem_shared>>) attributes {dimension_semantics = [#tpu.dimension_semantics<core_parallel>, #tpu.dimension_semantics<subcore_parallel>], iteration_bounds = array<i64: 2, 16>, scalar_prefetch = 0 : i64, scratch_operands = 5 : i64, tpu.core_type = #tpu.core_type<sc_vector_subcore>, window_params = [{transform_indices = #map}, {transform_indices = #map1}, {transform_indices = #map1}, {transform_indices = #map1}, {transform_indices = #map1}]} {
    %mul3A = arith.constant 16 : i32
    %mul3A_0 = arith.muli %arg0, %mul3A : i32
    %add3A = arith.addi %mul3A_0, %arg1 : i32
    %broadcast_in_dim3A = arith.constant 0.000000e+00 : f32
    %broadcast_in_dim3A_1 = vector.broadcast %broadcast_in_dim3A : f32 to vector<16xf32>
    %scan3A = arith.constant 0 : i32
    %scan3A_2 = arith.constant 0 : i32
    %scan3A_3 = arith.constant 640 : i32
    %scan3A_4 = arith.addi %scan3A_2, %scan3A_3 : i32
    %scan3A_5 = arith.constant 1 : i32
    %scan3A_6 = scf.for %scan3A_47 = %scan3A_2 to %scan3A_4 step %scan3A_5 iter_args(%scan3A_48 = %scan3A) -> (i32)  : i32 {
      %mul3A_49 = arith.constant 16 : i32
      %mul3A_50 = arith.muli %scan3A_47, %mul3A_49 : i32
      %swap3A = arith.index_cast %mul3A_50 : i32 to index
      %swap3A_51 = tpu.vector_load %arg10[%swap3A] {strides = array<i32>} : memref<10240xf32, #tpu.memory_space<vmem>>, vector<16xf32>,
      tpu.vector_store %arg10[%swap3A], %broadcast_in_dim3A_1 {strides = array<i32>} : memref<10240xf32, #tpu.memory_space<vmem>>, vector<16xf32>,
      %scan3A_52 = arith.constant 0 : i32
      scf.yield %scan3A_52 : i32
    }
    %scan3A_7 = arith.constant 640 : i32
    %scan3A_8 = arith.constant 0 : i32
    %scan3A_9 = arith.constant 0 : i32
    %scan3A_10 = arith.constant 128 : i32
    %scan3A_11 = arith.addi %scan3A_9, %scan3A_10 : i32
    %scan3A_12 = arith.constant 1 : i32
    %scan3A_13 = scf.for %scan3A_47 = %scan3A_9 to %scan3A_11 step %scan3A_12 iter_args(%scan3A_48 = %scan3A_8) -> (i32)  : i32 {
      %swap3A = arith.index_cast %scan3A_47 : i32 to index
      %swap3A_49 = arith.constant 0 : index
      %swap3A_50 = tpu.vector_load %arg9[%swap3A, %swap3A_49] {strides = array<i32>} : memref<128x128xf32, #tpu.memory_space<vmem>>, vector<16xf32>,
      tpu.vector_store %arg9[%swap3A, %swap3A_49], %broadcast_in_dim3A_1 {strides = array<i32>} : memref<128x128xf32, #tpu.memory_space<vmem>>, vector<16xf32>,
      %swap3A_51 = arith.index_cast %scan3A_47 : i32 to index
      %swap3A_52 = arith.constant 16 : index
      %swap3A_53 = tpu.vector_load %arg9[%swap3A_51, %swap3A_52] {strides = array<i32>} : memref<128x128xf32, #tpu.memory_space<vmem>>, vector<16xf32>,
      tpu.vector_store %arg9[%swap3A_51, %swap3A_52], %broadcast_in_dim3A_1 {strides = array<i32>} : memref<128x128xf32, #tpu.memory_space<vmem>>, vector<16xf32>,
      %swap3A_54 = arith.index_cast %scan3A_47 : i32 to index
      %swap3A_55 = arith.constant 32 : index
      %swap3A_56 = tpu.vector_load %arg9[%swap3A_54, %swap3A_55] {strides = array<i32>} : memref<128x128xf32, #tpu.memory_space<vmem>>, vector<16xf32>,
      tpu.vector_store %arg9[%swap3A_54, %swap3A_55], %broadcast_in_dim3A_1 {strides = array<i32>} : memref<128x128xf32, #tpu.memory_space<vmem>>, vector<16xf32>,
      %swap3A_57 = arith.index_cast %scan3A_47 : i32 to index
      %swap3A_58 = arith.constant 48 : index
      %swap3A_59 = tpu.vector_load %arg9[%swap3A_57, %swap3A_58] {strides = array<i32>} : memref<128x128xf32, #tpu.memory_space<vmem>>, vector<16xf32>,
      tpu.vector_store %arg9[%swap3A_57, %swap3A_58], %broadcast_in_dim3A_1 {strides = array<i32>} : memref<128x128xf32, #tpu.memory_space<vmem>>, vector<16xf32>,
      %swap3A_60 = arith.index_cast %scan3A_47 : i32 to index
      %swap3A_61 = arith.constant 64 : index
      %swap3A_62 = tpu.vector_load %arg9[%swap3A_60, %swap3A_61] {strides = array<i32>} : memref<128x128xf32, #tpu.memory_space<vmem>>, vector<16xf32>,
      tpu.vector_store %arg9[%swap3A_60, %swap3A_61], %broadcast_in_dim3A_1 {strides = array<i32>} : memref<128x128xf32, #tpu.memory_space<vmem>>, vector<16xf32>,
      %swap3A_63 = arith.index_cast %scan3A_47 : i32 to index
      %swap3A_64 = arith.constant 80 : index
      %swap3A_65 = tpu.vector_load %arg9[%swap3A_63, %swap3A_64] {strides = array<i32>} : memref<128x128xf32, #tpu.memory_space<vmem>>, vector<16xf32>,
      tpu.vector_store %arg9[%swap3A_63, %swap3A_64], %broadcast_in_dim3A_1 {strides = array<i32>} : memref<128x128xf32, #tpu.memory_space<vmem>>, vector<16xf32>,
      %swap3A_66 = arith.index_cast %scan3A_47 : i32 to index
      %swap3A_67 = arith.constant 96 : index
      %swap3A_68 = tpu.vector_load %arg9[%swap3A_66, %swap3A_67] {strides = array<i32>} : memref<128x128xf32, #tpu.memory_space<vmem>>, vector<16xf32>,
      tpu.vector_store %arg9[%swap3A_66, %swap3A_67], %broadcast_in_dim3A_1 {strides = array<i32>} : memref<128x128xf32, #tpu.memory_space<vmem>>, vector<16xf32>,
      %swap3A_69 = arith.index_cast %scan3A_47 : i32 to index
      %swap3A_70 = arith.constant 112 : index
      %swap3A_71 = tpu.vector_load %arg9[%swap3A_69, %swap3A_70] {strides = array<i32>} : memref<128x128xf32, #tpu.memory_space<vmem>>, vector<16xf32>,
      tpu.vector_store %arg9[%swap3A_69, %swap3A_70], %broadcast_in_dim3A_1 {strides = array<i32>} : memref<128x128xf32, #tpu.memory_space<vmem>>, vector<16xf32>,
      %scan3A_72 = arith.constant 0 : i32
      scf.yield %scan3A_72 : i32
    }
    %scan3A_14 = arith.constant 128 : i32
    "tpu.region"() ({
      %run_scoped3A = tpu.sem_alloc : memref<!tpu.dma_semaphore, #tpu.memory_space<semaphore_mem>>
      %dma_start3A = arith.constant 0 : i32
      %dma_start3A_47 = arith.constant 0 : i32
      %dma_start3A_48 = tpu.memref_slice %arg3[%add3A, %dma_start3A, %dma_start3A_47] : memref<32x79x128xi32, #tpu.memory_space<hbm>> -> memref<1x79x128xi32, #tpu.memory_space<hbm>>
      %dma_start3A_49 = tpu.memref_squeeze %dma_start3A_48 : memref<1x79x128xi32, #tpu.memory_space<hbm>> -> memref<79x128xi32, #tpu.memory_space<hbm>>
      %dma_start3A_50 = arith.constant 0 : i32
      %dma_start3A_51 = arith.constant 0 : i32
      %dma_start3A_52 = tpu.memref_slice %arg3[%add3A, %dma_start3A_50, %dma_start3A_51] : memref<32x79x128xi32, #tpu.memory_space<hbm>> -> memref<1x79x128xi32, #tpu.memory_space<hbm>>
      %dma_start3A_53 = tpu.memref_squeeze %dma_start3A_52 : memref<1x79x128xi32, #tpu.memory_space<hbm>> -> memref<79x128xi32, #tpu.memory_space<hbm>>
      tpu.enqueue_dma source(%dma_start3A_53 : memref<79x128xi32, #tpu.memory_space<hbm>>) target(%arg7 : memref<79x128xi32, #tpu.memory_space<vmem>>) target_semaphore(%run_scoped3A : memref<!tpu.dma_semaphore, #tpu.memory_space<semaphore_mem>>)
      %dma_wait3A = arith.constant 0 : i32
      %dma_wait3A_54 = arith.constant 0 : i32
      %dma_wait3A_55 = tpu.memref_slice %arg3[%add3A, %dma_wait3A, %dma_wait3A_54] : memref<32x79x128xi32, #tpu.memory_space<hbm>> -> memref<1x79x128xi32, #tpu.memory_space<hbm>>
      %dma_wait3A_56 = tpu.memref_squeeze %dma_wait3A_55 : memref<1x79x128xi32, #tpu.memory_space<hbm>> -> memref<79x128xi32, #tpu.memory_space<hbm>>
      %dma_wait3A_57 = arith.constant 0 : i32
      %dma_wait3A_58 = arith.constant 0 : i32
      %dma_wait3A_59 = tpu.memref_slice %arg3[%add3A, %dma_wait3A_57, %dma_wait3A_58] : memref<32x79x128xi32, #tpu.memory_space<hbm>> -> memref<1x79x128xi32, #tpu.memory_space<hbm>>
      %dma_wait3A_60 = tpu.memref_squeeze %dma_wait3A_59 : memref<1x79x128xi32, #tpu.memory_space<hbm>> -> memref<79x128xi32, #tpu.memory_space<hbm>>
      tpu.wait_dma2 semaphore(%run_scoped3A : memref<!tpu.dma_semaphore, #tpu.memory_space<semaphore_mem>>) src(%dma_wait3A_60 : memref<79x128xi32, #tpu.memory_space<hbm>>) dst(%arg7 : memref<79x128xi32, #tpu.memory_space<vmem>>)
      tpu.yield
    }) : () -> ()
    "tpu.region"() ({
      %run_scoped3A = tpu.sem_alloc : memref<!tpu.dma_semaphore, #tpu.memory_space<semaphore_mem>>
      %dma_start3A = arith.constant 0 : i32
      %dma_start3A_47 = arith.constant 0 : i32
      %dma_start3A_48 = tpu.memref_slice %arg4[%add3A, %dma_start3A, %dma_start3A_47] : memref<32x79x128xi32, #tpu.memory_space<hbm>> -> memref<1x79x128xi32, #tpu.memory_space<hbm>>
      %dma_start3A_49 = tpu.memref_squeeze %dma_start3A_48 : memref<1x79x128xi32, #tpu.memory_space<hbm>> -> memref<79x128xi32, #tpu.memory_space<hbm>>
      %dma_start3A_50 = arith.constant 0 : i32
      %dma_start3A_51 = arith.constant 0 : i32
      %dma_start3A_52 = tpu.memref_slice %arg4[%add3A, %dma_start3A_50, %dma_start3A_51] : memref<32x79x128xi32, #tpu.memory_space<hbm>> -> memref<1x79x128xi32, #tpu.memory_space<hbm>>
      %dma_start3A_53 = tpu.memref_squeeze %dma_start3A_52 : memref<1x79x128xi32, #tpu.memory_space<hbm>> -> memref<79x128xi32, #tpu.memory_space<hbm>>
      tpu.enqueue_dma source(%dma_start3A_53 : memref<79x128xi32, #tpu.memory_space<hbm>>) target(%arg8 : memref<79x128xi32, #tpu.memory_space<vmem>>) target_semaphore(%run_scoped3A : memref<!tpu.dma_semaphore, #tpu.memory_space<semaphore_mem>>)
      %dma_wait3A = arith.constant 0 : i32
      %dma_wait3A_54 = arith.constant 0 : i32
      %dma_wait3A_55 = tpu.memref_slice %arg4[%add3A, %dma_wait3A, %dma_wait3A_54] : memref<32x79x128xi32, #tpu.memory_space<hbm>> -> memref<1x79x128xi32, #tpu.memory_space<hbm>>
      %dma_wait3A_56 = tpu.memref_squeeze %dma_wait3A_55 : memref<1x79x128xi32, #tpu.memory_space<hbm>> -> memref<79x128xi32, #tpu.memory_space<hbm>>
      %dma_wait3A_57 = arith.constant 0 : i32
      %dma_wait3A_58 = arith.constant 0 : i32
      %dma_wait3A_59 = tpu.memref_slice %arg4[%add3A, %dma_wait3A_57, %dma_wait3A_58] : memref<32x79x128xi32, #tpu.memory_space<hbm>> -> memref<1x79x128xi32, #tpu.memory_space<hbm>>
      %dma_wait3A_60 = tpu.memref_squeeze %dma_wait3A_59 : memref<1x79x128xi32, #tpu.memory_space<hbm>> -> memref<79x128xi32, #tpu.memory_space<hbm>>
      tpu.wait_dma2 semaphore(%run_scoped3A : memref<!tpu.dma_semaphore, #tpu.memory_space<semaphore_mem>>) src(%dma_wait3A_60 : memref<79x128xi32, #tpu.memory_space<hbm>>) dst(%arg8 : memref<79x128xi32, #tpu.memory_space<vmem>>)
      tpu.yield
    }) : () -> ()
    %mul3A_15 = arith.constant 640 : i32
    %mul3A_16 = arith.muli %arg1, %mul3A_15 : i32
    %add3A_17 = arith.constant 0 : i32
    %add3A_18 = arith.addi %mul3A_16, %add3A_17 : i32
    "tpu.region"() ({
      %run_scoped3A = tpu.sem_alloc : memref<!tpu.dma_semaphore, #tpu.memory_space<semaphore_mem>>
      %dma_start3A = arith.constant 0 : i32
      %dma_start3A_47 = tpu.memref_slice %arg11[%add3A_18, %dma_start3A] : memref<10240x128xf32, #tpu.memory_space<vmem_shared>> -> memref<128x128xf32, #tpu.memory_space<vmem_shared>>
      %dma_start3A_48 = arith.constant 0 : i32
      %dma_start3A_49 = tpu.memref_slice %arg11[%add3A_18, %dma_start3A_48] : memref<10240x128xf32, #tpu.memory_space<vmem_shared>> -> memref<128x128xf32, #tpu.memory_space<vmem_shared>>
      tpu.enqueue_dma source(%arg9 : memref<128x128xf32, #tpu.memory_space<vmem>>) target(%dma_start3A_49 : memref<128x128xf32, #tpu.memory_space<vmem_shared>>) target_semaphore(%run_scoped3A : memref<!tpu.dma_semaphore, #tpu.memory_space<semaphore_mem>>)
      %dma_wait3A = arith.constant 0 : i32
      %dma_wait3A_50 = tpu.memref_slice %arg11[%add3A_18, %dma_wait3A] : memref<10240x128xf32, #tpu.memory_space<vmem_shared>> -> memref<128x128xf32, #tpu.memory_space<vmem_shared>>
      %dma_wait3A_51 = arith.constant 0 : i32
      %dma_wait3A_52 = tpu.memref_slice %arg11[%add3A_18, %dma_wait3A_51] : memref<10240x128xf32, #tpu.memory_space<vmem_shared>> -> memref<128x128xf32, #tpu.memory_space<vmem_shared>>
      tpu.wait_dma2 semaphore(%run_scoped3A : memref<!tpu.dma_semaphore, #tpu.memory_space<semaphore_mem>>) src(%arg9 : memref<128x128xf32, #tpu.memory_space<vmem>>) dst(%dma_wait3A_52 : memref<128x128xf32, #tpu.memory_space<vmem_shared>>)
      tpu.yield
    }) : () -> ()
    %mul3A_19 = arith.constant 640 : i32
    %mul3A_20 = arith.muli %arg1, %mul3A_19 : i32
    %add3A_21 = arith.constant 128 : i32
    %add3A_22 = arith.addi %mul3A_20, %add3A_21 : i32
    "tpu.region"() ({
      %run_scoped3A = tpu.sem_alloc : memref<!tpu.dma_semaphore, #tpu.memory_space<semaphore_mem>>
      %dma_start3A = arith.constant 0 : i32
      %dma_start3A_47 = tpu.memref_slice %arg11[%add3A_22, %dma_start3A] : memref<10240x128xf32, #tpu.memory_space<vmem_shared>> -> memref<128x128xf32, #tpu.memory_space<vmem_shared>>
      %dma_start3A_48 = arith.constant 0 : i32
      %dma_start3A_49 = tpu.memref_slice %arg11[%add3A_22, %dma_start3A_48] : memref<10240x128xf32, #tpu.memory_space<vmem_shared>> -> memref<128x128xf32, #tpu.memory_space<vmem_shared>>
      tpu.enqueue_dma source(%arg9 : memref<128x128xf32, #tpu.memory_space<vmem>>) target(%dma_start3A_49 : memref<128x128xf32, #tpu.memory_space<vmem_shared>>) target_semaphore(%run_scoped3A : memref<!tpu.dma_semaphore, #tpu.memory_space<semaphore_mem>>)
      %dma_wait3A = arith.constant 0 : i32
      %dma_wait3A_50 = tpu.memref_slice %arg11[%add3A_22, %dma_wait3A] : memref<10240x128xf32, #tpu.memory_space<vmem_shared>> -> memref<128x128xf32, #tpu.memory_space<vmem_shared>>
      %dma_wait3A_51 = arith.constant 0 : i32
      %dma_wait3A_52 = tpu.memref_slice %arg11[%add3A_22, %dma_wait3A_51] : memref<10240x128xf32, #tpu.memory_space<vmem_shared>> -> memref<128x128xf32, #tpu.memory_space<vmem_shared>>
      tpu.wait_dma2 semaphore(%run_scoped3A : memref<!tpu.dma_semaphore, #tpu.memory_space<semaphore_mem>>) src(%arg9 : memref<128x128xf32, #tpu.memory_space<vmem>>) dst(%dma_wait3A_52 : memref<128x128xf32, #tpu.memory_space<vmem_shared>>)
      tpu.yield
    }) : () -> ()
    %mul3A_23 = arith.constant 640 : i32
    %mul3A_24 = arith.muli %arg1, %mul3A_23 : i32
    %add3A_25 = arith.constant 256 : i32
    %add3A_26 = arith.addi %mul3A_24, %add3A_25 : i32
    "tpu.region"() ({
      %run_scoped3A = tpu.sem_alloc : memref<!tpu.dma_semaphore, #tpu.memory_space<semaphore_mem>>
      %dma_start3A = arith.constant 0 : i32
      %dma_start3A_47 = tpu.memref_slice %arg11[%add3A_26, %dma_start3A] : memref<10240x128xf32, #tpu.memory_space<vmem_shared>> -> memref<128x128xf32, #tpu.memory_space<vmem_shared>>
      %dma_start3A_48 = arith.constant 0 : i32
      %dma_start3A_49 = tpu.memref_slice %arg11[%add3A_26, %dma_start3A_48] : memref<10240x128xf32, #tpu.memory_space<vmem_shared>> -> memref<128x128xf32, #tpu.memory_space<vmem_shared>>
      tpu.enqueue_dma source(%arg9 : memref<128x128xf32, #tpu.memory_space<vmem>>) target(%dma_start3A_49 : memref<128x128xf32, #tpu.memory_space<vmem_shared>>) target_semaphore(%run_scoped3A : memref<!tpu.dma_semaphore, #tpu.memory_space<semaphore_mem>>)
      %dma_wait3A = arith.constant 0 : i32
      %dma_wait3A_50 = tpu.memref_slice %arg11[%add3A_26, %dma_wait3A] : memref<10240x128xf32, #tpu.memory_space<vmem_shared>> -> memref<128x128xf32, #tpu.memory_space<vmem_shared>>
      %dma_wait3A_51 = arith.constant 0 : i32
      %dma_wait3A_52 = tpu.memref_slice %arg11[%add3A_26, %dma_wait3A_51] : memref<10240x128xf32, #tpu.memory_space<vmem_shared>> -> memref<128x128xf32, #tpu.memory_space<vmem_shared>>
      tpu.wait_dma2 semaphore(%run_scoped3A : memref<!tpu.dma_semaphore, #tpu.memory_space<semaphore_mem>>) src(%arg9 : memref<128x128xf32, #tpu.memory_space<vmem>>) dst(%dma_wait3A_52 : memref<128x128xf32, #tpu.memory_space<vmem_shared>>)
      tpu.yield
    }) : () -> ()
    %mul3A_27 = arith.constant 640 : i32
    %mul3A_28 = arith.muli %arg1, %mul3A_27 : i32
    %add3A_29 = arith.constant 384 : i32
    %add3A_30 = arith.addi %mul3A_28, %add3A_29 : i32
    "tpu.region"() ({
      %run_scoped3A = tpu.sem_alloc : memref<!tpu.dma_semaphore, #tpu.memory_space<semaphore_mem>>
      %dma_start3A = arith.constant 0 : i32
      %dma_start3A_47 = tpu.memref_slice %arg11[%add3A_30, %dma_start3A] : memref<10240x128xf32, #tpu.memory_space<vmem_shared>> -> memref<128x128xf32, #tpu.memory_space<vmem_shared>>
      %dma_start3A_48 = arith.constant 0 : i32
      %dma_start3A_49 = tpu.memref_slice %arg11[%add3A_30, %dma_start3A_48] : memref<10240x128xf32, #tpu.memory_space<vmem_shared>> -> memref<128x128xf32, #tpu.memory_space<vmem_shared>>
      tpu.enqueue_dma source(%arg9 : memref<128x128xf32, #tpu.memory_space<vmem>>) target(%dma_start3A_49 : memref<128x128xf32, #tpu.memory_space<vmem_shared>>) target_semaphore(%run_scoped3A : memref<!tpu.dma_semaphore, #tpu.memory_space<semaphore_mem>>)
      %dma_wait3A = arith.constant 0 : i32
      %dma_wait3A_50 = tpu.memref_slice %arg11[%add3A_30, %dma_wait3A] : memref<10240x128xf32, #tpu.memory_space<vmem_shared>> -> memref<128x128xf32, #tpu.memory_space<vmem_shared>>
      %dma_wait3A_51 = arith.constant 0 : i32
      %dma_wait3A_52 = tpu.memref_slice %arg11[%add3A_30, %dma_wait3A_51] : memref<10240x128xf32, #tpu.memory_space<vmem_shared>> -> memref<128x128xf32, #tpu.memory_space<vmem_shared>>
      tpu.wait_dma2 semaphore(%run_scoped3A : memref<!tpu.dma_semaphore, #tpu.memory_space<semaphore_mem>>) src(%arg9 : memref<128x128xf32, #tpu.memory_space<vmem>>) dst(%dma_wait3A_52 : memref<128x128xf32, #tpu.memory_space<vmem_shared>>)
      tpu.yield
    }) : () -> ()
    %mul3A_31 = arith.constant 640 : i32
    %mul3A_32 = arith.muli %arg1, %mul3A_31 : i32
    %add3A_33 = arith.constant 512 : i32
    %add3A_34 = arith.addi %mul3A_32, %add3A_33 : i32
    "tpu.region"() ({
      %run_scoped3A = tpu.sem_alloc : memref<!tpu.dma_semaphore, #tpu.memory_space<semaphore_mem>>
      %dma_start3A = arith.constant 0 : i32
      %dma_start3A_47 = tpu.memref_slice %arg11[%add3A_34, %dma_start3A] : memref<10240x128xf32, #tpu.memory_space<vmem_shared>> -> memref<128x128xf32, #tpu.memory_space<vmem_shared>>
      %dma_start3A_48 = arith.constant 0 : i32
      %dma_start3A_49 = tpu.memref_slice %arg11[%add3A_34, %dma_start3A_48] : memref<10240x128xf32, #tpu.memory_space<vmem_shared>> -> memref<128x128xf32, #tpu.memory_space<vmem_shared>>
      tpu.enqueue_dma source(%arg9 : memref<128x128xf32, #tpu.memory_space<vmem>>) target(%dma_start3A_49 : memref<128x128xf32, #tpu.memory_space<vmem_shared>>) target_semaphore(%run_scoped3A : memref<!tpu.dma_semaphore, #tpu.memory_space<semaphore_mem>>)
      %dma_wait3A = arith.constant 0 : i32
      %dma_wait3A_50 = tpu.memref_slice %arg11[%add3A_34, %dma_wait3A] : memref<10240x128xf32, #tpu.memory_space<vmem_shared>> -> memref<128x128xf32, #tpu.memory_space<vmem_shared>>
      %dma_wait3A_51 = arith.constant 0 : i32
      %dma_wait3A_52 = tpu.memref_slice %arg11[%add3A_34, %dma_wait3A_51] : memref<10240x128xf32, #tpu.memory_space<vmem_shared>> -> memref<128x128xf32, #tpu.memory_space<vmem_shared>>
      tpu.wait_dma2 semaphore(%run_scoped3A : memref<!tpu.dma_semaphore, #tpu.memory_space<semaphore_mem>>) src(%arg9 : memref<128x128xf32, #tpu.memory_space<vmem>>) dst(%dma_wait3A_52 : memref<128x128xf32, #tpu.memory_space<vmem_shared>>)
      tpu.yield
    }) : () -> ()
    %barrier3A = arith.constant 0 : index
    tpu.barrier barrier_id(%barrier3A)
    %scan3A_35 = arith.constant 0 : i32
    %scan3A_36 = arith.constant 0 : i32
    %scan3A_37 = arith.constant 79 : i32
    %scan3A_38 = arith.addi %scan3A_36, %scan3A_37 : i32
    %scan3A_39 = arith.constant 1 : i32
    %scan3A_40 = scf.for %scan3A_47 = %scan3A_36 to %scan3A_38 step %scan3A_39 iter_args(%scan3A_48 = %scan3A_35) -> (i32)  : i32 {
      "tpu.region"() ({
        %run_scoped3A = tpu.sem_alloc : memref<!tpu.dma_semaphore, #tpu.memory_space<semaphore_mem>>
        %dma_start3A = arith.constant 0 : i32
        %dma_start3A_126 = tpu.memref_slice %arg7[%scan3A_47, %dma_start3A] : memref<79x128xi32, #tpu.memory_space<vmem>> -> memref<1x128xi32, #tpu.memory_space<vmem>>
        %dma_start3A_127 = tpu.memref_squeeze %dma_start3A_126 : memref<1x128xi32, #tpu.memory_space<vmem>> -> memref<128xi32, #tpu.memory_space<vmem>>
        %dma_start3A_128 = arith.constant 0 : i32
        %dma_start3A_129 = arith.constant 0 : i32
        %dma_start3A_130 = tpu.memref_slice %arg2[%dma_start3A_128, %dma_start3A_129] : memref<10000x128xf32, #tpu.memory_space<hbm>> -> memref<10000x128xf32, #tpu.memory_space<hbm>>
        tpu.enqueue_indirect_dma source(%dma_start3A_130 : memref<10000x128xf32, #tpu.memory_space<hbm>>) target(%arg9 : memref<128x128xf32, #tpu.memory_space<vmem>>) offsets(%dma_start3A_127 : memref<128xi32, #tpu.memory_space<vmem>>) semaphore(%run_scoped3A : memref<!tpu.dma_semaphore, #tpu.memory_space<semaphore_mem>>)
        %dma_wait3A = arith.constant 0 : i32
        %dma_wait3A_131 = tpu.memref_slice %arg7[%scan3A_47, %dma_wait3A] : memref<79x128xi32, #tpu.memory_space<vmem>> -> memref<1x128xi32, #tpu.memory_space<vmem>>
        %dma_wait3A_132 = tpu.memref_squeeze %dma_wait3A_131 : memref<1x128xi32, #tpu.memory_space<vmem>> -> memref<128xi32, #tpu.memory_space<vmem>>
        %dma_wait3A_133 = arith.constant 0 : i32
        %dma_wait3A_134 = arith.constant 0 : i32
        %dma_wait3A_135 = tpu.memref_slice %arg2[%dma_wait3A_133, %dma_wait3A_134] : memref<10000x128xf32, #tpu.memory_space<hbm>> -> memref<10000x128xf32, #tpu.memory_space<hbm>>
        tpu.wait_indirect_dma semaphore(%run_scoped3A : memref<!tpu.dma_semaphore, #tpu.memory_space<semaphore_mem>>) src(%dma_wait3A_135 : memref<10000x128xf32, #tpu.memory_space<hbm>>) dst(%arg9 : memref<128x128xf32, #tpu.memory_space<vmem>>)
        tpu.yield
      }) : () -> ()
      "tpu.region"() ({
        %run_scoped3A = tpu.sem_alloc : memref<!tpu.dma_semaphore, #tpu.memory_space<semaphore_mem>>
        %dma_start3A = arith.constant 0 : i32
        %dma_start3A_126 = tpu.memref_slice %arg8[%scan3A_47, %dma_start3A] : memref<79x128xi32, #tpu.memory_space<vmem>> -> memref<1x128xi32, #tpu.memory_space<vmem>>
        %dma_start3A_127 = tpu.memref_squeeze %dma_start3A_126 : memref<1x128xi32, #tpu.memory_space<vmem>> -> memref<128xi32, #tpu.memory_space<vmem>>
        %dma_start3A_128 = arith.constant 0 : i32
        %dma_start3A_129 = arith.constant 0 : i32
        %dma_start3A_130 = tpu.memref_slice %arg11[%dma_start3A_128, %dma_start3A_129] : memref<10240x128xf32, #tpu.memory_space<vmem_shared>> -> memref<10240x128xf32, #tpu.memory_space<vmem_shared>>
        tpu.enqueue_indirect_dma source(%arg9 : memref<128x128xf32, #tpu.memory_space<vmem>>) target(%dma_start3A_130 : memref<10240x128xf32, #tpu.memory_space<vmem_shared>>) offsets(%dma_start3A_127 : memref<128xi32, #tpu.memory_space<vmem>>) semaphore(%run_scoped3A : memref<!tpu.dma_semaphore, #tpu.memory_space<semaphore_mem>>) {add = true}
        %dma_wait3A = arith.constant 0 : i32
        %dma_wait3A_131 = tpu.memref_slice %arg8[%scan3A_47, %dma_wait3A] : memref<79x128xi32, #tpu.memory_space<vmem>> -> memref<1x128xi32, #tpu.memory_space<vmem>>
        %dma_wait3A_132 = tpu.memref_squeeze %dma_wait3A_131 : memref<1x128xi32, #tpu.memory_space<vmem>> -> memref<128xi32, #tpu.memory_space<vmem>>
        %dma_wait3A_133 = arith.constant 0 : i32
        %dma_wait3A_134 = arith.constant 0 : i32
        %dma_wait3A_135 = tpu.memref_slice %arg11[%dma_wait3A_133, %dma_wait3A_134] : memref<10240x128xf32, #tpu.memory_space<vmem_shared>> -> memref<10240x128xf32, #tpu.memory_space<vmem_shared>>
        tpu.wait_indirect_dma semaphore(%run_scoped3A : memref<!tpu.dma_semaphore, #tpu.memory_space<semaphore_mem>>) src(%arg9 : memref<128x128xf32, #tpu.memory_space<vmem>>) dst(%dma_wait3A_135 : memref<10240x128xf32, #tpu.memory_space<vmem_shared>>)
        tpu.yield
      }) : () -> ()
      %get3A = arith.index_cast %scan3A_47 : i32 to index
      %get3A_49 = arith.constant 0 : index
      %get3A_50 = tpu.vector_load %arg8[%get3A, %get3A_49] {strides = array<i32>} : memref<79x128xi32, #tpu.memory_space<vmem>>, vector<16xi32>,
      %broadcast_in_dim3A_51 = arith.constant true
      %broadcast_in_dim3A_52 = vector.broadcast %broadcast_in_dim3A_51 : i1 to vector<16xi1>
      %unique3A, %unique3A_53 = tpu.scan_count mask(%broadcast_in_dim3A_52 : vector<16xi1>) value(%get3A_50 : vector<16xi32>) : vector<16xi1>, vector<16xi32>
      %gather3A = tpu.vector_load_idx %arg10[%get3A_50] masked %unique3A : memref<10240xf32, #tpu.memory_space<vmem>>[vector<16xi32>], vector<16xf32>, vector<16xi1>
      %convert_element_type3A = arith.sitofp %unique3A_53 : vector<16xi32> to vector<16xf32>
      %add3A_54 = arith.addf %gather3A, %convert_element_type3A : vector<16xf32>
      tpu.vector_store_idx %arg10[%get3A_50], %add3A_54 masked %unique3A : memref<10240xf32, #tpu.memory_space<vmem>>[vector<16xi32>], vector<16xf32>, vector<16xi1>
      %get3A_55 = arith.index_cast %scan3A_47 : i32 to index
      %get3A_56 = arith.constant 16 : index
      %get3A_57 = tpu.vector_load %arg8[%get3A_55, %get3A_56] {strides = array<i32>} : memref<79x128xi32, #tpu.memory_space<vmem>>, vector<16xi32>,
      %broadcast_in_dim3A_58 = arith.constant true
      %broadcast_in_dim3A_59 = vector.broadcast %broadcast_in_dim3A_58 : i1 to vector<16xi1>
      %unique3A_60, %unique3A_61 = tpu.scan_count mask(%broadcast_in_dim3A_59 : vector<16xi1>) value(%get3A_57 : vector<16xi32>) : vector<16xi1>, vector<16xi32>
      %gather3A_62 = tpu.vector_load_idx %arg10[%get3A_57] masked %unique3A_60 : memref<10240xf32, #tpu.memory_space<vmem>>[vector<16xi32>], vector<16xf32>, vector<16xi1>
      %convert_element_type3A_63 = arith.sitofp %unique3A_61 : vector<16xi32> to vector<16xf32>
      %add3A_64 = arith.addf %gather3A_62, %convert_element_type3A_63 : vector<16xf32>
      tpu.vector_store_idx %arg10[%get3A_57], %add3A_64 masked %unique3A_60 : memref<10240xf32, #tpu.memory_space<vmem>>[vector<16xi32>], vector<16xf32>, vector<16xi1>
      %get3A_65 = arith.index_cast %scan3A_47 : i32 to index
      %get3A_66 = arith.constant 32 : index
      %get3A_67 = tpu.vector_load %arg8[%get3A_65, %get3A_66] {strides = array<i32>} : memref<79x128xi32, #tpu.memory_space<vmem>>, vector<16xi32>,
      %broadcast_in_dim3A_68 = arith.constant true
      %broadcast_in_dim3A_69 = vector.broadcast %broadcast_in_dim3A_68 : i1 to vector<16xi1>
      %unique3A_70, %unique3A_71 = tpu.scan_count mask(%broadcast_in_dim3A_69 : vector<16xi1>) value(%get3A_67 : vector<16xi32>) : vector<16xi1>, vector<16xi32>
      %gather3A_72 = tpu.vector_load_idx %arg10[%get3A_67] masked %unique3A_70 : memref<10240xf32, #tpu.memory_space<vmem>>[vector<16xi32>], vector<16xf32>, vector<16xi1>
      %convert_element_type3A_73 = arith.sitofp %unique3A_71 : vector<16xi32> to vector<16xf32>
      %add3A_74 = arith.addf %gather3A_72, %convert_element_type3A_73 : vector<16xf32>
      tpu.vector_store_idx %arg10[%get3A_67], %add3A_74 masked %unique3A_70 : memref<10240xf32, #tpu.memory_space<vmem>>[vector<16xi32>], vector<16xf32>, vector<16xi1>
      %get3A_75 = arith.index_cast %scan3A_47 : i32 to index
      %get3A_76 = arith.constant 48 : index
      %get3A_77 = tpu.vector_load %arg8[%get3A_75, %get3A_76] {strides = array<i32>} : memref<79x128xi32, #tpu.memory_space<vmem>>, vector<16xi32>,
      %broadcast_in_dim3A_78 = arith.constant true
      %broadcast_in_dim3A_79 = vector.broadcast %broadcast_in_dim3A_78 : i1 to vector<16xi1>
      %unique3A_80, %unique3A_81 = tpu.scan_count mask(%broadcast_in_dim3A_79 : vector<16xi1>) value(%get3A_77 : vector<16xi32>) : vector<16xi1>, vector<16xi32>
      %gather3A_82 = tpu.vector_load_idx %arg10[%get3A_77] masked %unique3A_80 : memref<10240xf32, #tpu.memory_space<vmem>>[vector<16xi32>], vector<16xf32>, vector<16xi1>
      %convert_element_type3A_83 = arith.sitofp %unique3A_81 : vector<16xi32> to vector<16xf32>
      %add3A_84 = arith.addf %gather3A_82, %convert_element_type3A_83 : vector<16xf32>
      tpu.vector_store_idx %arg10[%get3A_77], %add3A_84 masked %unique3A_80 : memref<10240xf32, #tpu.memory_space<vmem>>[vector<16xi32>], vector<16xf32>, vector<16xi1>
      %get3A_85 = arith.index_cast %scan3A_47 : i32 to index
      %get3A_86 = arith.constant 64 : index
      %get3A_87 = tpu.vector_load %arg8[%get3A_85, %get3A_86] {strides = array<i32>} : memref<79x128xi32, #tpu.memory_space<vmem>>, vector<16xi32>,
      %broadcast_in_dim3A_88 = arith.constant true
      %broadcast_in_dim3A_89 = vector.broadcast %broadcast_in_dim3A_88 : i1 to vector<16xi1>
      %unique3A_90, %unique3A_91 = tpu.scan_count mask(%broadcast_in_dim3A_89 : vector<16xi1>) value(%get3A_87 : vector<16xi32>) : vector<16xi1>, vector<16xi32>
      %gather3A_92 = tpu.vector_load_idx %arg10[%get3A_87] masked %unique3A_90 : memref<10240xf32, #tpu.memory_space<vmem>>[vector<16xi32>], vector<16xf32>, vector<16xi1>
      %convert_element_type3A_93 = arith.sitofp %unique3A_91 : vector<16xi32> to vector<16xf32>
      %add3A_94 = arith.addf %gather3A_92, %convert_element_type3A_93 : vector<16xf32>
      tpu.vector_store_idx %arg10[%get3A_87], %add3A_94 masked %unique3A_90 : memref<10240xf32, #tpu.memory_space<vmem>>[vector<16xi32>], vector<16xf32>, vector<16xi1>
      %get3A_95 = arith.index_cast %scan3A_47 : i32 to index
      %get3A_96 = arith.constant 80 : index
      %get3A_97 = tpu.vector_load %arg8[%get3A_95, %get3A_96] {strides = array<i32>} : memref<79x128xi32, #tpu.memory_space<vmem>>, vector<16xi32>,
      %broadcast_in_dim3A_98 = arith.constant true
      %broadcast_in_dim3A_99 = vector.broadcast %broadcast_in_dim3A_98 : i1 to vector<16xi1>
      %unique3A_100, %unique3A_101 = tpu.scan_count mask(%broadcast_in_dim3A_99 : vector<16xi1>) value(%get3A_97 : vector<16xi32>) : vector<16xi1>, vector<16xi32>
      %gather3A_102 = tpu.vector_load_idx %arg10[%get3A_97] masked %unique3A_100 : memref<10240xf32, #tpu.memory_space<vmem>>[vector<16xi32>], vector<16xf32>, vector<16xi1>
      %convert_element_type3A_103 = arith.sitofp %unique3A_101 : vector<16xi32> to vector<16xf32>
      %add3A_104 = arith.addf %gather3A_102, %convert_element_type3A_103 : vector<16xf32>
      tpu.vector_store_idx %arg10[%get3A_97], %add3A_104 masked %unique3A_100 : memref<10240xf32, #tpu.memory_space<vmem>>[vector<16xi32>], vector<16xf32>, vector<16xi1>
      %get3A_105 = arith.index_cast %scan3A_47 : i32 to index
      %get3A_106 = arith.constant 96 : index
      %get3A_107 = tpu.vector_load %arg8[%get3A_105, %get3A_106] {strides = array<i32>} : memref<79x128xi32, #tpu.memory_space<vmem>>, vector<16xi32>,
      %broadcast_in_dim3A_108 = arith.constant true
      %broadcast_in_dim3A_109 = vector.broadcast %broadcast_in_dim3A_108 : i1 to vector<16xi1>
      %unique3A_110, %unique3A_111 = tpu.scan_count mask(%broadcast_in_dim3A_109 : vector<16xi1>) value(%get3A_107 : vector<16xi32>) : vector<16xi1>, vector<16xi32>
      %gather3A_112 = tpu.vector_load_idx %arg10[%get3A_107] masked %unique3A_110 : memref<10240xf32, #tpu.memory_space<vmem>>[vector<16xi32>], vector<16xf32>, vector<16xi1>
      %convert_element_type3A_113 = arith.sitofp %unique3A_111 : vector<16xi32> to vector<16xf32>
      %add3A_114 = arith.addf %gather3A_112, %convert_element_type3A_113 : vector<16xf32>
      tpu.vector_store_idx %arg10[%get3A_107], %add3A_114 masked %unique3A_110 : memref<10240xf32, #tpu.memory_space<vmem>>[vector<16xi32>], vector<16xf32>, vector<16xi1>
      %get3A_115 = arith.index_cast %scan3A_47 : i32 to index
      %get3A_116 = arith.constant 112 : index
      %get3A_117 = tpu.vector_load %arg8[%get3A_115, %get3A_116] {strides = array<i32>} : memref<79x128xi32, #tpu.memory_space<vmem>>, vector<16xi32>,
      %broadcast_in_dim3A_118 = arith.constant true
      %broadcast_in_dim3A_119 = vector.broadcast %broadcast_in_dim3A_118 : i1 to vector<16xi1>
      %unique3A_120, %unique3A_121 = tpu.scan_count mask(%broadcast_in_dim3A_119 : vector<16xi1>) value(%get3A_117 : vector<16xi32>) : vector<16xi1>, vector<16xi32>
      %gather3A_122 = tpu.vector_load_idx %arg10[%get3A_117] masked %unique3A_120 : memref<10240xf32, #tpu.memory_space<vmem>>[vector<16xi32>], vector<16xf32>, vector<16xi1>
      %convert_element_type3A_123 = arith.sitofp %unique3A_121 : vector<16xi32> to vector<16xf32>
      %add3A_124 = arith.addf %gather3A_122, %convert_element_type3A_123 : vector<16xf32>
      tpu.vector_store_idx %arg10[%get3A_117], %add3A_124 masked %unique3A_120 : memref<10240xf32, #tpu.memory_space<vmem>>[vector<16xi32>], vector<16xf32>, vector<16xi1>
      %scan3A_125 = arith.constant 0 : i32
      scf.yield %scan3A_125 : i32
    }
    %scan3A_41 = arith.constant 79 : i32
    %barrier3A_42 = arith.constant 0 : index
    tpu.barrier barrier_id(%barrier3A_42)
    %mul3A_43 = arith.constant 640 : i32
    %mul3A_44 = arith.muli %arg1, %mul3A_43 : i32
    %mul3A_45 = arith.constant 640 : i32
    %mul3A_46 = arith.muli %arg1, %mul3A_45 : i32
    "tpu.region"() ({
      %run_scoped3A = tpu.sem_alloc : memref<!tpu.dma_semaphore, #tpu.memory_space<semaphore_mem>>
      %dma_start3A = arith.constant 0 : i32
      %dma_start3A_47 = tpu.memref_slice %arg5[%arg0, %mul3A_46, %dma_start3A] : memref<2x10240x128xf32, #tpu.memory_space<hbm>> -> memref<1x640x128xf32, #tpu.memory_space<hbm>>
      %dma_start3A_48 = tpu.memref_squeeze %dma_start3A_47 : memref<1x640x128xf32, #tpu.memory_space<hbm>> -> memref<640x128xf32, #tpu.memory_space<hbm>>
      %dma_start3A_49 = arith.constant 0 : i32
      %dma_start3A_50 = tpu.memref_slice %arg11[%mul3A_44, %dma_start3A_49] : memref<10240x128xf32, #tpu.memory_space<vmem_shared>> -> memref<640x128xf32, #tpu.memory_space<vmem_shared>>
      tpu.enqueue_dma source(%dma_start3A_50 : memref<640x128xf32, #tpu.memory_space<vmem_shared>>) target(%dma_start3A_48 : memref<640x128xf32, #tpu.memory_space<hbm>>) target_semaphore(%run_scoped3A : memref<!tpu.dma_semaphore, #tpu.memory_space<semaphore_mem>>)
      %dma_wait3A = arith.constant 0 : i32
      %dma_wait3A_51 = tpu.memref_slice %arg5[%arg0, %mul3A_46, %dma_wait3A] : memref<2x10240x128xf32, #tpu.memory_space<hbm>> -> memref<1x640x128xf32, #tpu.memory_space<hbm>>
      %dma_wait3A_52 = tpu.memref_squeeze %dma_wait3A_51 : memref<1x640x128xf32, #tpu.memory_space<hbm>> -> memref<640x128xf32, #tpu.memory_space<hbm>>
      %dma_wait3A_53 = arith.constant 0 : i32
      %dma_wait3A_54 = tpu.memref_slice %arg11[%mul3A_44, %dma_wait3A_53] : memref<10240x128xf32, #tpu.memory_space<vmem_shared>> -> memref<640x128xf32, #tpu.memory_space<vmem_shared>>
      tpu.wait_dma2 semaphore(%run_scoped3A : memref<!tpu.dma_semaphore, #tpu.memory_space<semaphore_mem>>) src(%dma_wait3A_54 : memref<640x128xf32, #tpu.memory_space<vmem_shared>>) dst(%dma_wait3A_52 : memref<640x128xf32, #tpu.memory_space<hbm>>)
      tpu.yield
    }) : () -> ()
    "tpu.region"() ({
      %run_scoped3A = tpu.sem_alloc : memref<!tpu.dma_semaphore, #tpu.memory_space<semaphore_mem>>
      %dma_start3A = arith.constant 0 : i32
      %dma_start3A_47 = tpu.memref_slice %arg6[%arg0, %arg1, %dma_start3A] : memref<2x16x10240xf32, #tpu.memory_space<hbm>> -> memref<1x1x10240xf32, #tpu.memory_space<hbm>>
      %dma_start3A_48 = tpu.memref_squeeze %dma_start3A_47 : memref<1x1x10240xf32, #tpu.memory_space<hbm>> -> memref<10240xf32, #tpu.memory_space<hbm>>
      %dma_start3A_49 = arith.constant 0 : i32
      %dma_start3A_50 = tpu.memref_slice %arg6[%arg0, %arg1, %dma_start3A_49] : memref<2x16x10240xf32, #tpu.memory_space<hbm>> -> memref<1x1x10240xf32, #tpu.memory_space<hbm>>
      %dma_start3A_51 = tpu.memref_squeeze %dma_start3A_50 : memref<1x1x10240xf32, #tpu.memory_space<hbm>> -> memref<10240xf32, #tpu.memory_space<hbm>>
      tpu.enqueue_dma source(%arg10 : memref<10240xf32, #tpu.memory_space<vmem>>) target(%dma_start3A_51 : memref<10240xf32, #tpu.memory_space<hbm>>) target_semaphore(%run_scoped3A : memref<!tpu.dma_semaphore, #tpu.memory_space<semaphore_mem>>)
      %dma_wait3A = arith.constant 0 : i32
      %dma_wait3A_52 = tpu.memref_slice %arg6[%arg0, %arg1, %dma_wait3A] : memref<2x16x10240xf32, #tpu.memory_space<hbm>> -> memref<1x1x10240xf32, #tpu.memory_space<hbm>>
      %dma_wait3A_53 = tpu.memref_squeeze %dma_wait3A_52 : memref<1x1x10240xf32, #tpu.memory_space<hbm>> -> memref<10240xf32, #tpu.memory_space<hbm>>
      %dma_wait3A_54 = arith.constant 0 : i32
      %dma_wait3A_55 = tpu.memref_slice %arg6[%arg0, %arg1, %dma_wait3A_54] : memref<2x16x10240xf32, #tpu.memory_space<hbm>> -> memref<1x1x10240xf32, #tpu.memory_space<hbm>>
      %dma_wait3A_56 = tpu.memref_squeeze %dma_wait3A_55 : memref<1x1x10240xf32, #tpu.memory_space<hbm>> -> memref<10240xf32, #tpu.memory_space<hbm>>
      tpu.wait_dma2 semaphore(%run_scoped3A : memref<!tpu.dma_semaphore, #tpu.memory_space<semaphore_mem>>) src(%arg10 : memref<10240xf32, #tpu.memory_space<vmem>>) dst(%dma_wait3A_56 : memref<10240xf32, #tpu.memory_space<hbm>>)
      tpu.yield
    }) : () -> ()
    return
  }
}

module attributes {stable_mosaic.version = 14 : i64} {
  func.func @_tc_combine_body(%arg0: i32, %arg1: memref<2x1000x128xf32, #tpu.memory_space<vmem>>, %arg2: memref<1000x32xf32, #tpu.memory_space<vmem>>, %arg3: memref<1000x128xf32, #tpu.memory_space<vmem>>, %arg4: memref<128x128xf32, #tpu.memory_space<vmem>>, %arg5: memref<128x128xf32, #tpu.memory_space<vmem>>, %arg6: memref<1000x128xf32, #tpu.memory_space<vmem>>) attributes {dimension_semantics = [#tpu.dimension_semantics<arbitrary>], iteration_bounds = array<i64: 10>, scalar_prefetch = 0 : i64, scratch_operands = 0 : i64, tpu.core_type = #tpu.core_type<tc>, window_params = [{transform_indices = @transform_0, window_bounds = array<i64: 2, 1000, 128>}, {transform_indices = @transform_1, window_bounds = array<i64: 1000, 32>}, {transform_indices = @transform_2, window_bounds = array<i64: 1000, 128>}, {pipeline_mode = #tpu.pipeline_mode<synchronous>, transform_indices = @transform_3, window_bounds = array<i64: 128, 128>}, {pipeline_mode = #tpu.pipeline_mode<synchronous>, transform_indices = @transform_4, window_bounds = array<i64: 128, 128>}, {transform_indices = @transform_5, window_bounds = array<i64: 1000, 128>}]} {
    %get3A = arith.constant 0 : index
    %get3A_0 = arith.constant 0 : index
    %get3A_1 = arith.constant 0 : index
    %get3A_2 = vector.load %arg1[%get3A, %get3A_0, %get3A_1] : memref<2x1000x128xf32, #tpu.memory_space<vmem>>, vector<1x1000x128xf32>
    %get3A_3 = vector.shape_cast %get3A_2 : vector<1x1000x128xf32> to vector<1000x128xf32>
    %get3A_4 = arith.constant 1 : index
    %get3A_5 = arith.constant 0 : index
    %get3A_6 = arith.constant 0 : index
    %get3A_7 = vector.load %arg1[%get3A_4, %get3A_5, %get3A_6] : memref<2x1000x128xf32, #tpu.memory_space<vmem>>, vector<1x1000x128xf32>
    %get3A_8 = vector.shape_cast %get3A_7 : vector<1x1000x128xf32> to vector<1000x128xf32>
    %add3A = arith.addf %get3A_3, %get3A_8 : vector<1000x128xf32>
    %get3A_9 = arith.constant 0 : index
    %get3A_10 = arith.constant 0 : index
    %get3A_11 = vector.load %arg2[%get3A_9, %get3A_10] : memref<1000x32xf32, #tpu.memory_space<vmem>>, vector<1000x32xf32>
    %reduce_sum3A = arith.constant dense<0.000000e+00> : vector<1000xf32>
    %reduce_sum3A_12 = vector.multi_reduction <add>, %get3A_11, %reduce_sum3A [1] : vector<1000x32xf32> to vector<1000xf32>
    %max3A = arith.constant 1.000000e+00 : f32
    %max3A_13 = vector.broadcast %max3A : f32 to vector<1000xf32>
    %max3A_14 = arith.maximumf %reduce_sum3A_12, %max3A_13 : vector<1000xf32>
    %broadcast_in_dim3A = vector.shape_cast %max3A_14 : vector<1000xf32> to vector<1000x1xf32>
    %div3A = vector.broadcast %broadcast_in_dim3A : vector<1000x1xf32> to vector<1000x128xf32>
    %div3A_15 = arith.divf %add3A, %div3A : vector<1000x128xf32>
    %get3A_16 = arith.constant 0 : index
    %get3A_17 = arith.constant 0 : index
    %get3A_18 = vector.load %arg4[%get3A_16, %get3A_17] : memref<128x128xf32, #tpu.memory_space<vmem>>, vector<128x128xf32>
    %dot_general3A = arith.constant dense<0.000000e+00> : vector<1000x128xf32>
    %dot_general3A_19 = tpu.matmul %div3A_15, %get3A_18, %dot_general3A {dimension_numbers = #tpu.dot_dimension_numbers<[1], [1], [0], [0], [0, 0, 1, 0], [], []>, transpose_lhs_hint = false} : vector<1000x128xf32>, vector<128x128xf32>, vector<1000x128xf32> -> vector<1000x128xf32>
    %get3A_20 = arith.constant 0 : index
    %get3A_21 = arith.constant 0 : index
    %get3A_22 = vector.load %arg3[%get3A_20, %get3A_21] : memref<1000x128xf32, #tpu.memory_space<vmem>>, vector<1000x128xf32>
    %get3A_23 = arith.constant 0 : index
    %get3A_24 = arith.constant 0 : index
    %get3A_25 = vector.load %arg5[%get3A_23, %get3A_24] : memref<128x128xf32, #tpu.memory_space<vmem>>, vector<128x128xf32>
    %dot_general3A_26 = arith.constant dense<0.000000e+00> : vector<1000x128xf32>
    %dot_general3A_27 = tpu.matmul %get3A_22, %get3A_25, %dot_general3A_26 {dimension_numbers = #tpu.dot_dimension_numbers<[1], [1], [0], [0], [0, 0, 1, 0], [], []>, transpose_lhs_hint = false} : vector<1000x128xf32>, vector<128x128xf32>, vector<1000x128xf32> -> vector<1000x128xf32>
    %add3A_28 = arith.addf %dot_general3A_19, %dot_general3A_27 : vector<1000x128xf32>
    %swap3A = arith.constant 0 : index
    %swap3A_29 = arith.constant 0 : index
    %swap3A_30 = vector.load %arg6[%swap3A, %swap3A_29] : memref<1000x128xf32, #tpu.memory_space<vmem>>, vector<1000x128xf32>
    tpu.vector_store %arg6[%swap3A, %swap3A_29], %add3A_28 {strides = array<i32>} : memref<1000x128xf32, #tpu.memory_space<vmem>>, vector<1000x128xf32>,
    return
  }
  func.func @transform_0(%arg0: i32) -> (i32, i32, i32) {
    %c0_i32 = arith.constant 0 : i32
    %c0_i32_0 = arith.constant 0 : i32
    %c0_i32_1 = arith.constant 0 : i32
    return %c0_i32, %arg0, %c0_i32_0 : i32, i32, i32
  }
  func.func @transform_1(%arg0: i32) -> (i32, i32) {
    %c0_i32 = arith.constant 0 : i32
    %c0_i32_0 = arith.constant 0 : i32
    return %arg0, %c0_i32 : i32, i32
  }
  func.func @transform_2(%arg0: i32) -> (i32, i32) {
    %c0_i32 = arith.constant 0 : i32
    %c0_i32_0 = arith.constant 0 : i32
    return %arg0, %c0_i32 : i32, i32
  }
  func.func @transform_3(%arg0: i32) -> (i32, i32) {
    %c0_i32 = arith.constant 0 : i32
    %c0_i32_0 = arith.constant 0 : i32
    %c0_i32_1 = arith.constant 0 : i32
    return %c0_i32, %c0_i32_0 : i32, i32
  }
  func.func @transform_4(%arg0: i32) -> (i32, i32) {
    %c0_i32 = arith.constant 0 : i32
    %c0_i32_0 = arith.constant 0 : i32
    %c0_i32_1 = arith.constant 0 : i32
    return %c0_i32, %c0_i32_0 : i32, i32
  }
  func.func @transform_5(%arg0: i32) -> (i32, i32) {
    %c0_i32 = arith.constant 0 : i32
    %c0_i32_0 = arith.constant 0 : i32
    return %arg0, %c0_i32 : i32, i32
  }
}

</mosaic_0001>

<sc_bundles>
// kernel: kernel.4.cloned.1.call-start
scs
__scs_entry_jumppad:
0x0: {  	(pc) =	sbr.rel $0x88, $3  }
0x1: {  	(tag) =	ssettag $0x0;
	lr =	simm.s32 $0x1  }
0x2: {  	[smem:$0x3F9D] =	sst lr;
	_ =	strace $0xD0000000  }
0x3: {  	_ = 	snop  }
0x4: {  	_ = 	snop  }
0x5: {  	_ = 	snop  }
0x6: {  	_ = 	snop  }
0x7: {  	_ = 	snop  }
__scs_overlays_trampoline_lowered:
0x8: {  	[smem:$0x3FAC] =	sst s0  }
0x9: {  	[smem:$0x3FAD] =	sst s1  }
0xa: {  	[smem:$0x3FAE] =	sst s2  }
0xb: {  	[smem:$0x3FAF] =	sst s3  }
0xc: {  	[smem:$0x3FB0] =	sst s4  }
0xd: {  	[smem:$0x3FB1] =	sst s5  }
0xe: {  	[smem:$0x3FB2] =	sst s6  }
0xf: {  	[smem:$0x3FB3] =	sst s7  }
0x10: {  	[smem:$0x3FB4] =	sst s8  }
0x11: {  	[smem:$0x3FB5] =	sst s9;
	s0 =	simm.s32 @!p0 $0x0  }
0x12: {  	s1 =	sld [smem:$0x3F9B];
	s0 =	simm.s32 @p0 $0x1  }
0x13: {  	[smem:$0x3FB6] =	sst s0;
	s0 =	simm.s32 @!p1 $0x0  }
0x14: {  	s2 =	sld [smem:$0x3F9A];
	s0 =	simm.s32 @p1 $0x1  }
0x15: {  	[smem:$0x3FB7] =	sst s0;
	s0 =	simm.s32 @!p2 $0x0  }
0x16: {  	s3 =	sld [smem:$0x3FDB];
	s0 =	simm.s32 @p2 $0x1  }
0x17: {  	s4 =	simm.s32 $0x1BF5;
	[smem:$0x3FB9] =	sst s0  }
0x18: {  	s0 =	sld [smem:$0x3F9C];
	_ =	swait.ge [sflag:s4], $0x0  }
0x19: {  	s7 =	sld [smem:$0x3F9D]  }
0x1a: {  	s8 =	sadd.s32 $0xFFFFE003, lr  }
0x1b: {  	s9 =	sadd.s32 $0xFFFFFEF7, lr;
	s5 =	simm.s32 $0xFFFFFFFF;
	p2 =	slt.u32 s8, $0xFFFFF086  }
0x1c: {  	p1 =	slt.u32 s9, $0xF7A;
	s5 =	simm.s32 @!p2 $0x0  }
0x1d: {  	s5 =	simm.s32 @p1 $0x1;
	p0 =	seq.s32 s7, s2  }
0x1e: {  	s7 =	smul.u32 @!p0 $0xF7A, s2;
	p2 =	seq.s32 @!p0 s5, $0x0  }
0x1f: {  	s9 =	smul.u32 $0xF7A, s1;
	s8 =	simm.s32 @!p0 $0x1BF5;
	p2 =	por !p2, p0  }
0x20: {  	[sflag:s8] =	ssyncset.s32 @!p0 $0xFFFFF086;
	s6 =	sadd.s32 @!p0 s3, s7;
	s7 =	simm.s32 @!p0 $0x108  }
0x21: {  	s3 =	sadd.s32 s3, s9;
	s6 =	sadd.s32 @!p0 $0x88, s6;
	s7 =	simm.s32 @p2 $0x1082  }
0x22: {  	[simem:s7], [sflag:s8] =	dma.local @!p0 [hbm:s6], $0xF7A  }
0x23: {  	s9 =	sor.u32 $0xD0000000, s2;
	s6 =	simm.s32 $0x108;
	_ =	swait.ge @!p0 [sflag:s8], $0x0  }
0x24: {  	s3 =	sadd.s32 $0x88, s3;
	s6 =	simm.s32 @!p1 $0x1082;
	[sflag:s4] =	ssyncset.s32 $0xFFFFF086  }
0x25: {  	[simem:s6], [sflag:s4] =	dma.local [hbm:s3], $0xF7A  }
0x26: {  	[smem:$0x3F9D] =	sst s1;
	(tag) =	ssettag s2;
	_ =	strace s9  }
0x27: {  	s1 =	sld [smem:$0x3FAD]  }
0x28: {  	s2 =	sld [smem:$0x3FAE]  }
0x29: {  	s4 =	sld [smem:$0x3FB0]  }
0x2a: {  	p0 =	seq.s32 s5, $0x0;
	s5 =	sld [smem:$0x3FB1]  }
0x2b: {  	s6 =	sld [smem:$0x3FB2]  }
0x2c: {  	s7 =	sld [smem:$0x3FB3]  }
0x2d: {  	s3 =	simm.s32 $0x108;
	s8 =	sld [smem:$0x3FB4]  }
0x2e: {  	s3 =	simm.s32 @!p0 $0x1082;
	s9 =	sld [smem:$0x3FB5]  }
0x2f: {  	lr =	sadd.s32 s0, s3;
	s0 =	sld [smem:$0x3FAC]  }
0x30: {  	s3 =	sld [smem:$0x3FAF]  }
0x31: {  	[smem:$0x3FB8] =	sst s10  }
0x32: {  	s10 =	sld [smem:$0x3FB6];
	_ =	sdelay $0x3  }
0x33: {  	p0 =	seq.s32 s10, $0x1;
	s10 =	sld [smem:$0x3FB8];
	_ =	sdelay $0x3  }
0x34: {  	[smem:$0x3FB8] =	sst s10  }
0x35: {  	s10 =	sld [smem:$0x3FB7];
	_ =	sdelay $0x3  }
0x36: {  	p1 =	seq.s32 s10, $0x1;
	s10 =	sld [smem:$0x3FB8];
	_ =	sdelay $0x3  }
0x37: {  	[smem:$0x3FB8] =	sst s10  }
0x38: {  	s10 =	sld [smem:$0x3FB9]  }
0x39: {  	_ = 	snop;
	(pc) =	sbr.ind lr, $3  }
0x3a: {  	_ = 	snop  }
0x3b: {  	_ = 	snop  }
0x3c: {  	p2 =	seq.s32 s10, $0x1;
	s10 =	sld [smem:$0x3FB8]  }
0x3d: {  	_ =	shalt  }
0x3e: {  	_ =	shalt  }
0x3f: {  	_ =	shalt  }
0x40: {  	_ =	shalt  }
0x41: {  	_ =	shalt  }
0x42: {  	_ =	shalt  }
0x43: {  	_ =	shalt  }
0x44: {  	_ =	shalt  }
0x45: {  	_ =	shalt  }
0x46: {  	_ =	shalt  }
0x47: {  	_ =	shalt  }
0x48: {  	_ =	shalt  }
0x49: {  	_ =	shalt  }
0x4a: {  	_ =	shalt  }
0x4b: {  	_ =	shalt  }
0x4c: {  	_ =	shalt  }
0x4d: {  	_ =	shalt  }
0x4e: {  	_ =	shalt  }
0x4f: {  	_ =	shalt  }
0x50: {  	_ =	shalt  }
0x51: {  	_ =	shalt  }
0x52: {  	_ =	shalt  }
0x53: {  	_ =	shalt  }
0x54: {  	_ =	shalt  }
0x55: {  	_ =	shalt  }
0x56: {  	_ =	shalt  }
0x57: {  	_ =	shalt  }
0x58: {  	_ =	shalt  }
0x59: {  	_ =	shalt  }
0x5a: {  	_ =	shalt  }
0x5b: {  	_ =	shalt  }
0x5c: {  	_ =	shalt  }
0x5d: {  	_ =	shalt  }
0x5e: {  	_ =	shalt  }
0x5f: {  	_ =	shalt  }
0x60: {  	_ =	shalt  }
0x61: {  	_ =	shalt  }
0x62: {  	_ =	shalt  }
0x63: {  	_ =	shalt  }
0x64: {  	_ =	shalt  }
0x65: {  	_ =	shalt  }
0x66: {  	_ =	shalt  }
0x67: {  	_ =	shalt  }
0x68: {  	_ =	shalt  }
0x69: {  	_ =	shalt  }
0x6a: {  	_ =	shalt  }
0x6b: {  	_ =	shalt  }
0x6c: {  	_ =	shalt  }
0x6d: {  	_ =	shalt  }
0x6e: {  	_ =	shalt  }
0x6f: {  	_ =	shalt  }
0x70: {  	_ =	shalt  }
0x71: {  	_ =	shalt  }
0x72: {  	_ =	shalt  }
0x73: {  	_ =	shalt  }
0x74: {  	_ =	shalt  }
0x75: {  	_ =	shalt  }
0x76: {  	_ =	shalt  }
0x77: {  	_ =	shalt  }
0x78: {  	_ =	shalt  }
0x79: {  	_ =	shalt  }
0x7a: {  	_ =	shalt  }
0x7b: {  	_ =	shalt  }
0x7c: {  	_ =	shalt  }
0x7d: {  	_ =	shalt  }
0x7e: {  	_ =	shalt  }
0x7f: {  	_ =	shalt  }
0x80: {  	_ =	shalt  }
0x81: {  	_ =	shalt  }
0x82: {  	_ =	shalt  }
0x83: {  	_ =	shalt  }
0x84: {  	_ =	shalt  }
0x85: {  	_ =	shalt  }
0x86: {  	_ =	shalt  }
0x87: {  	_ =	shalt  }
.Lfunc_end0:
.L_simem_size_0:
called_computation_lowered:
.L_overlay_start_0:
0x88: {  	s2 =	sld [smem:$0x3FD9]  }
0x89: {  	s3 =	sld [smem:$0x3FFE];
	_ =	sdelay $0x1  }
0x8a: {  	s1 =	srdreg.scid  }
0x8b: {  	s0 =	sand.u32 $0x1, s1  }
0x8c: {  	s17 =	sshll.u32 s0, $0xA;
	s2 =	sadd.s32 s3, s2  }
0x8d: {  	s2 =	sadd.s32 s2, s17  }
0x8e: {  	[smem:$0x3FC4] =	sst s2  }
0x8f: {  	_ = 	snop  }
0x90: {  	s2 =	sld [smem:$0x3FC9]  }
0x91: {  	s18 =	sld [smem:$0x3FD0];
	(tm) =	ssettm $0x1  }
0x92: {  	s4 =	sld [smem:$0x3FFB];
	_ =	sdelay $0x3  }
0x93: {  	_ =	strace s4  }
0x94: {  	s4 =	sld [smem:$0x3FFC];
	_ =	sdelay $0x3  }
0x95: {  	_ =	strace s4  }
0x96: {  	s4 =	sld [smem:$0x3FFD];
	_ =	sdelay $0x3  }
0x97: {  	_ =	strace s4  }
0x98: {  	_ =	strace $0x8FFFFFFF  }
0x99: {  	s19 =	sld [smem:$0x3FDB];
	_ =	sdelay $0x1  }
0x9a: {  	s5 =	simm.s32 $_scs_section_size  }
0x9b: {  	s6 =	simm.s32 $_size__tile_overlayer_lowered;
	s7 =	simm.s32 $_tile_overlayer_lowered  }
0x9c: {  	s22 =	simm.s32 $0x1BFF;
	s21 =	sshll.u32 s7, $0x1;
	s4 =	sadd.s32 s5, s19  }
0x9d: {  	s8 =	simm.s32 $0x0;
	s20 =	sshll.u32 s6, $0x1;
	s6 =	sadd.s32 s21, s4  }
0x9e: {  	[timem:s8], [sflag:s22] =	dma.local [hbm:s6], s20  }
0x9f: {  	_ =	swait.ge [sflag:s22], s20  }
0xa0: {  	s5 =	ssub.s32 $0x0, s20;
	[sflag:s22] =	ssyncset.done $0x0  }
0xa1: {  	[sflag:s22] =	ssyncadd.s32 s5;
	_ =	sdelay $0x1  }
0xa2: {  	s23 =	simm.s32 $0x1B8B  }
0xa3: {  	_ =	swait.ge [sflag:s23], $0x1  }
0xa4: {  	[sflag:s23] =	ssyncset.done $0x0  }
0xa5: {  	s25 =	simm.s32 $0x1B8E;
	s24 =	sld [smem:$0x3FFE];
	[sflag:s23] =	ssyncadd.s32 $0xFFFFFFFF  }
0xa6: {  	s26 =	simm.s32 $execute0_lowered;
	[smem:$0x3FD2] =	sst s25  }
0xa7: {  	s6 =	sshll.u32 s26, $0x1;
	_ =	strace $0x80000046;
	[dreg:$0x1] =	wrdreg $0xFFFFFFFF  }
0xa8: {  	s28 =	simm.s32 $_size_execute0_lowered;
	s4 =	sadd.s32 s4, s6;
	[dreg:$0x0] =	wrdreg $0x0  }
0xa9: {  	s6 =	sshll.u32 s28, $0x1;
	[dreg:$0x2] =	wrdreg s4  }
0xaa: {  	[dreg:$0x3] =	wrdreg s6  }
0xab: {  	[dreg:$0x4] =	wrdreg $0xC0  }
0xac: {  	_ =	task [dreg:s8], $0x5FFFF  }
0xad: {  	[dreg:$0x1] =	wrdreg $0xFFFFFFFF  }
0xae: {  	[dreg:$0x0] =	wrdreg $0x60  }
0xaf: {  	[dreg:$0x2] =	wrdreg s2  }
0xb0: {  	[dreg:$0x3] =	wrdreg s18  }
0xb1: {  	[dreg:$0x4] =	wrdreg s24  }
0xb2: {  	[dreg:$0x5] =	wrdreg $0xB8000  }
0xb3: {  	[dreg:$0x6] =	wrdreg $0x9  }
0xb4: {  	_ =	task.clear_ibuf [dreg:s8], $0x7FFFF;
	_ =	strace $0x90000046  }
0xb5: {  	s29 =	simm.s32 $0x9;
	_ =	strace $0x80000048  }
0xb6: {  	_ =	swait.ge [sflag:s29], $0x1  }
0xb7: {  	[sflag:s29] =	ssyncadd.s32 $0xFFFFFFFF  }
0xb8: {  	_ =	strace $0x90000048  }
0xb9: {  	_ =	sfence  }
0xba: {  	s30 =	sld [smem:$0x0];
	_ =	sdelay $0x2  }
0xbb: {  	s31 =	sshll.u32 s1, $0xD;
	s1 =	sshrl.u32 s1, $0x2  }
0xbc: {  	s3 =	sand.u32 $0x4000, s31;
	s1 =	sadd.s32 s1, s30  }
0xbd: {  	s0 =	sor.u32 s3, s0;
	s1 =	sshll.u32 s1, $0x11  }
0xbe: {  	s0 =	sor.u32 s1, s0  }
0xbf: {  	s0 =	sadd.s32 $0x8F2B, s0  }
0xc0: {  	[sflag:s0] =	ssyncadd.remote.s32 $0x1  }
0xc1: {  	_ =	sfence.sel $0xFFFF  }
0xc2: {  	[dreg:$0x0] =	wrdreg $0xFFFFFFFF;
	(pc) =	sbr.abs _section_cstart, $3  }
0xc3: {  	[dreg:$0x1] =	wrdreg $0xFFFFFFFF  }
0xc4: {  	_ =	task.clear_ibuf [dreg:s8], $0x2FFFF;
	_ =	strace $0x9FFFFFFF  }
0xc5: {  	(tm) =	ssettm $0x7FFFFFFF  }
tec
execute0_lowered:
.L_overlay_start_1:
0x0: {  	(tag) =	ssettag $0x1  }
0x1: {  	s1 =	rddreg [dreg:$0x0]  }
0x2: {  	s6 =	rddreg [dreg:$0x1]  }
0x3: {  	s7 =	rddreg [dreg:$0x2]  }
0x4: {  	s0 =	srdreg.scid;
	s3 =	rddreg [dreg:$0x3]  }
0x5: {  	s4 =	simm.s32 $0x0;
	s16 =	simm.s32 $0x2800;
	s17 =	simm.s32 $0x5000  }
0x6: {  	s18 =	simm.s32 $0x80;
	s19 =	simm.s32 $0x9000;
	s5 =	sand.u32 $0x1, s0  }
0x7: {  	s20 =	simm.s32 $0x400;
	s0 =	stileid.u32;
	s9 =	smul.u32 $0x140000, s5  }
0x8: {  	[smem:$0x7FF] =	sst s4;
	s2 =	sshll.u32 s5, $0x4;
	s10 =	smul.u32 $0x14000, s0  }
0x9: {  	s11 =	smul.u32 $0x28000, s5;
	s12 =	sshrl.u32 s0, $0x3;
	s13 =	sshll.u32 s0, $0x7  }
0xa: {  	s26 =	smul.u32 $0x50000, s0;
	s5 =	ssub.s32 $0x2, s5;
	s2 =	sor.u32 s0, s2  }
0xb: {  	s23 =	smul.u32 $0x14000, s12;
	s25 =	sand.u32 $0x380, s13;
	s29 =	sshrl.u32 s5, $0x1  }
0xc: {  	s8 =	smul.u32 $0x500, s2;
	s2 =	rddreg [dreg:$0x4];
	_ =	strace $0x80000047  }
0xd: {  	s9 =	sadd.s32 s10, s9;
	s30 =	sshrl.u32 s26, $0x2;
	s15 =	ssub.s32 s5, s29  }
0xe: {  	s9 =	sshrl.u32 s9, $0x3;
	s10 =	sadd.s32 s11, s23;
	s5 =	sadd.s32 s30, s3  }
0xf: {  	s24 =	sadd.s32 s8, s7;
	s14 =	sadd.s32 s9, s7;
	s28 =	sor.u32 s25, s10  }
0x10: {  	s6 =	sadd.s32 s6, s8;
	s8 =	sadd.s32 $0x4000, s5;
	s10 =	sadd.s32 $0xC000, s5  }
0x11: {  	s11 =	sadd.s32 $0x10000, s5;
	s9 =	sshrl.u32 s28, $0x3;
	s12 =	sadd.s32 $0x14E00, s14  }
0x12: {  	s14 =	smax.u32 s15, $0x1;
	s15 =	simm.s32 $0x1;
	s31 =	sadd.s32 s9, s7  }
0x13: {  	v0 =	vimm.f32 $0.0e+00;
	s7 =	sadd.s32 $0xE00, s24;
	s9 =	sadd.s32 $0x8000, s5;
	s13 =	sadd.s32 $0xAE00, s31  }
.LBB2_1:
0x14: {  	s21 =	simm.s32 $0x0  }
.LBB2_2:
0x15: {  	p0 =	sne.s32 s21, $0x9FC0  }
.Ltmp0:
0x16: {  	_ = 	snop;
	(pc) =	sbr.rel @p0 .LBB2_2-.Ltmp0, $3  }
0x17: {  	_ =	sdelay $0x1  }
0x18: {  	s22 =	sshra.s32 s21, $0x2  }
0x19: {  	s21 =	sadd.s32 $0x40, s21;
	[tilespmem:s22+$0x9000] =	vst v0  }
0x1a: {  	s21 =	simm.s32 $0x0;
	s22 =	simm.s32 $0x200  }
.LBB2_4:
0x1b: {  	p0 =	sne.s32 s22, $0xFE00;
	[tilespmem:s21+$0x5070] =	vst v0  }
0x1c: {  	[tilespmem:s21+$0x5000] =	vst v0  }
0x1d: {  	[tilespmem:s21+$0x5010] =	vst v0  }
.Ltmp1:
0x1e: {  	[tilespmem:s21+$0x5020] =	vst v0;
	(pc) =	sbr.rel @p0 .LBB2_4-.Ltmp1, $4  }
0x1f: {  	[tilespmem:s21+$0x5030] =	vst v0  }
0x20: {  	[tilespmem:s21+$0x5040] =	vst v0  }
0x21: {  	[tilespmem:s21+$0x5050] =	vst v0  }
0x22: {  	[tilespmem:s21+$0x5060] =	vst v0;
	s21 =	sshra.s32 s22, $0x2;
	s22 =	sadd.s32 $0x200, s22  }
0x23: {  	[tilespmem:s21+$0x5070] =	vst v0  }
0x24: {  	[tilespmem:s21+$0x5000] =	vst v0  }
0x25: {  	[tilespmem:s21+$0x5010] =	vst v0  }
0x26: {  	[tilespmem:s21+$0x5020] =	vst v0  }
0x27: {  	[tilespmem:s21+$0x5030] =	vst v0  }
0x28: {  	[tilespmem:s21+$0x5040] =	vst v0  }
0x29: {  	[tilespmem:s21+$0x5050] =	vst v0  }
0x2a: {  	[tilespmem:s21+$0x5060] =	vst v0;
	s21 =	simm.s32 $0x0  }
0x2b: {  	[tilespmem:s21], [sflag:$0x1] =	stream.linear.gather [hbm4b:s6+s21], $0x2780, $0x38;
	[tilespmem:$0x1F800] =	vst v63  }
0x2c: {  	_ =	swait.ge [sflag:s15], $0x2780  }
0x2d: {  	[sflag:s15] =	ssyncset.done $0x0  }
0x2e: {  	[sflag:s15] =	ssyncadd.s32 $0xFFFFD880  }
0x2f: {  	[tilespmem:s16], [sflag:$0x1] =	stream.linear.gather [hbm4b:s7+s21], $0x2780, $0x38;
	[tilespmem:$0x1F800] =	vst v63  }
0x30: {  	_ =	swait.ge [sflag:s15], $0x2780  }
0x31: {  	[sflag:s15] =	ssyncset.done $0x0  }
0x32: {  	[sflag:s15] =	ssyncadd.s32 $0xFFFFD880  }
0x33: {  	[spmem:s5] =	stream.linear.scatter [tilespmem:s17], [sflag:$0x1], $0x4000, $0x38;
	[tilespmem:$0x1F800] =	vst v63  }
0x34: {  	_ =	swait.ge [sflag:s15], $0x4000  }
0x35: {  	[sflag:s15] =	ssyncset.done $0x0  }
0x36: {  	[sflag:s15] =	ssyncadd.s32 $0xFFFFC000  }
0x37: {  	[spmem:s8] =	stream.linear.scatter [tilespmem:s17], [sflag:$0x1], $0x4000, $0x38;
	[tilespmem:$0x1F800] =	vst v63  }
0x38: {  	_ =	swait.ge [sflag:s15], $0x4000  }
0x39: {  	[sflag:s15] =	ssyncset.done $0x0  }
0x3a: {  	[sflag:s15] =	ssyncadd.s32 $0xFFFFC000  }
0x3b: {  	[spmem:s9] =	stream.linear.scatter [tilespmem:s17], [sflag:$0x1], $0x4000, $0x38;
	[tilespmem:$0x1F800] =	vst v63  }
0x3c: {  	_ =	swait.ge [sflag:s15], $0x4000  }
0x3d: {  	[sflag:s15] =	ssyncset.done $0x0  }
0x3e: {  	[sflag:s15] =	ssyncadd.s32 $0xFFFFC000  }
0x3f: {  	[spmem:s10] =	stream.linear.scatter [tilespmem:s17], [sflag:$0x1], $0x4000, $0x38;
	[tilespmem:$0x1F800] =	vst v63  }
0x40: {  	_ =	swait.ge [sflag:s15], $0x4000  }
0x41: {  	[sflag:s15] =	ssyncset.done $0x0  }
0x42: {  	[sflag:s15] =	ssyncadd.s32 $0xFFFFC000  }
0x43: {  	[spmem:s11] =	stream.linear.scatter [tilespmem:s17], [sflag:$0x1], $0x4000, $0x38;
	[tilespmem:$0x1F800] =	vst v63  }
0x44: {  	_ =	swait.ge [sflag:s15], $0x4000  }
0x45: {  	[sflag:s15] =	ssyncset.done $0x0  }
0x46: {  	[sflag:s15] =	ssyncadd.s32 $0xFFFFC000  }
0x47: {  	[bflag:$0x0] =	sbarrier.arrive $0xFFFF  }
.LBB2_6:
0x48: {  	s22 =	sshra.s32 s21, $0x2  }
0x49: {  	[tilespmem:s17], [sflag:$0x1] =	stream.indirect.gather [hbm4b:s1+s18], $0x80, s22, s18, $0xb8;
	[tilespmem:$0x1F800] =	vst v63  }
0x4a: {  	_ =	swait.ge [sflag:s15], $0x4000  }
0x4b: {  	[sflag:s15] =	ssyncset.done $0x0  }
0x4c: {  	s23 =	sadd.s32 $0x2800, s22;
	[sflag:s15] =	ssyncadd.s32 $0xFFFFC000  }
0x4d: {  	[spmem:s3] =	stream.indirect.scatter.add.f32 [tilespmem:s17], [sflag:$0x1], $0x80, s23, s18, $0xb8;
	[tilespmem:$0x1F800] =	vst v63  }
0x4e: {  	_ =	swait.ge [sflag:s15], $0x4000  }
0x4f: {  	[sflag:s15] =	ssyncset.done $0x0  }
0x50: {  	[sflag:s15] =	ssyncadd.s32 $0xFFFFC000  }
0x51: {  	v1 =	vld [tilespmem:s22+$0x2800];
	_ =	sdelay $0x4  }
0x52: {  	(xrf1) =	vunique.msk.u32 $0xffff, v1;
	_ =	sdelay $0xd  }
0x53: {  	_, v2, vm0 =	vpop (xrf1);
	_ =	sdelay $0x5  }
0x54: {  	v3 =	vld.idx.msk [tilespmem:v1+s19+$0x0], vm0;
	_ =	sdelay $0x2  }
0x55: {  	v2 =	vcvt.s32.f32 v2;
	_ =	sdelay $0x1  }
0x56: {  	v2 =	vadd.f32 v2, v3;
	_ =	sdelay $0x1  }
0x57: {  	[tilespmem:v1+s19+$0x0] =	vst.idx.msk vm0, v2  }
0x58: {  	v1 =	vld [tilespmem:s22+$0x2810];
	_ =	sdelay $0x4  }
0x59: {  	(xrf1) =	vunique.msk.u32 $0xffff, v1;
	_ =	sdelay $0xd  }
0x5a: {  	_, v2, vm0 =	vpop (xrf1);
	_ =	sdelay $0x5  }
0x5b: {  	v3 =	vld.idx.msk [tilespmem:v1+s19+$0x0], vm0;
	_ =	sdelay $0x2  }
0x5c: {  	v2 =	vcvt.s32.f32 v2;
	_ =	sdelay $0x1  }
0x5d: {  	v2 =	vadd.f32 v2, v3;
	_ =	sdelay $0x1  }
0x5e: {  	[tilespmem:v1+s19+$0x0] =	vst.idx.msk vm0, v2  }
0x5f: {  	v1 =	vld [tilespmem:s22+$0x2820];
	_ =	sdelay $0x4  }
0x60: {  	(xrf1) =	vunique.msk.u32 $0xffff, v1;
	_ =	sdelay $0xd  }
0x61: {  	_, v2, vm0 =	vpop (xrf1);
	_ =	sdelay $0x5  }
0x62: {  	v3 =	vld.idx.msk [tilespmem:v1+s19+$0x0], vm0;
	_ =	sdelay $0x2  }
0x63: {  	v2 =	vcvt.s32.f32 v2;
	_ =	sdelay $0x1  }
0x64: {  	v2 =	vadd.f32 v2, v3;
	_ =	sdelay $0x1  }
0x65: {  	[tilespmem:v1+s19+$0x0] =	vst.idx.msk vm0, v2  }
0x66: {  	v1 =	vld [tilespmem:s22+$0x2830];
	_ =	sdelay $0x4  }
0x67: {  	(xrf1) =	vunique.msk.u32 $0xffff, v1;
	_ =	sdelay $0xd  }
0x68: {  	_, v2, vm0 =	vpop (xrf1);
	_ =	sdelay $0x5  }
0x69: {  	v3 =	vld.idx.msk [tilespmem:v1+s19+$0x0], vm0;
	_ =	sdelay $0x2  }
0x6a: {  	v2 =	vcvt.s32.f32 v2;
	_ =	sdelay $0x1  }
0x6b: {  	v2 =	vadd.f32 v2, v3;
	_ =	sdelay $0x1  }
0x6c: {  	[tilespmem:v1+s19+$0x0] =	vst.idx.msk vm0, v2  }
0x6d: {  	v1 =	vld [tilespmem:s22+$0x2840];
	_ =	sdelay $0x4  }
0x6e: {  	(xrf1) =	vunique.msk.u32 $0xffff, v1;
	_ =	sdelay $0xd  }
0x6f: {  	_, v2, vm0 =	vpop (xrf1);
	_ =	sdelay $0x5  }
0x70: {  	v3 =	vld.idx.msk [tilespmem:v1+s19+$0x0], vm0;
	_ =	sdelay $0x2  }
0x71: {  	v2 =	vcvt.s32.f32 v2;
	_ =	sdelay $0x1  }
0x72: {  	v2 =	vadd.f32 v2, v3;
	_ =	sdelay $0x1  }
0x73: {  	[tilespmem:v1+s19+$0x0] =	vst.idx.msk vm0, v2  }
0x74: {  	v1 =	vld [tilespmem:s22+$0x2850];
	_ =	sdelay $0x4  }
0x75: {  	(xrf1) =	vunique.msk.u32 $0xffff, v1;
	_ =	sdelay $0xd  }
0x76: {  	_, v2, vm0 =	vpop (xrf1);
	_ =	sdelay $0x5  }
0x77: {  	v3 =	vld.idx.msk [tilespmem:v1+s19+$0x0], vm0;
	_ =	sdelay $0x2  }
0x78: {  	v2 =	vcvt.s32.f32 v2;
	_ =	sdelay $0x1  }
0x79: {  	v2 =	vadd.f32 v2, v3;
	_ =	sdelay $0x1  }
0x7a: {  	[tilespmem:v1+s19+$0x0] =	vst.idx.msk vm0, v2  }
0x7b: {  	v1 =	vld [tilespmem:s22+$0x2860];
	_ =	sdelay $0x4  }
0x7c: {  	(xrf1) =	vunique.msk.u32 $0xffff, v1;
	_ =	sdelay $0xd  }
0x7d: {  	_, v2, vm0 =	vpop (xrf1);
	_ =	sdelay $0x5  }
0x7e: {  	v3 =	vld.idx.msk [tilespmem:v1+s19+$0x0], vm0;
	_ =	sdelay $0x2  }
0x7f: {  	v2 =	vcvt.s32.f32 v2;
	_ =	sdelay $0x1  }
0x80: {  	v2 =	vadd.f32 v2, v3;
	_ =	sdelay $0x1  }
0x81: {  	[tilespmem:v1+s19+$0x0] =	vst.idx.msk vm0, v2  }
0x82: {  	v1 =	vld [tilespmem:s22+$0x2870];
	_ =	sdelay $0x4  }
0x83: {  	(xrf1) =	vunique.msk.u32 $0xffff, v1;
	_ =	sdelay $0xd  }
0x84: {  	_, v2, vm0 =	vpop (xrf1);
	_ =	sdelay $0x5  }
0x85: {  	v3 =	vld.idx.msk [tilespmem:v1+s19+$0x0], vm0;
	_ =	sdelay $0x1  }
0x86: {  	p0 =	sne.s32 s21, $0x9C00  }
.Ltmp2:
0x87: {  	v2 =	vcvt.s32.f32 v2;
	(pc) =	sbr.rel @p0 .LBB2_6-.Ltmp2, $3  }
0x88: {  	_ = 	snop  }
0x89: {  	v2 =	vadd.f32 v2, v3;
	_ =	sdelay $0x1  }
0x8a: {  	s21 =	sadd.s32 $0x200, s21;
	[tilespmem:v1+s19+$0x0] =	vst.idx.msk vm0, v2  }
0x8b: {  	s21 =	sshll.u32 s0, $0x6  }
0x8c: {  	[bflag:$0x0] =	sbarrier.arrive $0xFFFF;
	s22 =	sshrl.u32 s5, $0x3;
	s21 =	sor.u32 $0x1C01, s21  }
0x8d: {  	[hbm:s12], [sflag:s21] =	dma.local [spmem:s22], $0x2800  }
0x8e: {  	s4 =	sadd.s32 $0x1, s4;
	_ =	swait.ge [sflag:s15], $0x2800  }
0x8f: {  	p0 =	sne.s32 s4, s14;
	[sflag:s15] =	ssyncset.done $0x0  }
.Ltmp3:
0x90: {  	[sflag:s15] =	ssyncadd.s32 $0xFFFFD800;
	(pc) =	sbr.rel @p0 .LBB2_1-.Ltmp3, $4  }
0x91: {  	[hbm4b:s13+s18] =	stream.strided.scatter [tilespmem:s19], [sflag:$0x1], $0x2800, s20, s18, $0x38;
	[tilespmem:$0x1F800] =	vst v63  }
0x92: {  	_ =	swait.ge [sflag:s15], $0x2800  }
0x93: {  	[sflag:s15] =	ssyncset.done $0x0  }
0x94: {  	[sflag:s15] =	ssyncadd.s32 $0xFFFFD800  }
0x95: {  	_ =	sfence.sel $0x180000  }
0x96: {  	[bflag:$0x0] =	sbarrier.arrive $0xFFFF  }
0x97: {  	p0 =	sne.s32 s0, $0x0;
	_ =	strace $0x90000047  }
0x98: {  	s0 =	sadd.s32 @!p0 $0x100000, s2;
	[bflag:$0x2] =	sbarrier.arrive $0xFFFF  }
0x99: {  	[sflag:s0] =	ssyncadd.tile.s32 @!p0 $0x1;
	_ =	shalt  }
.Lfunc_end2:
_tile_overlayer_lowered:
.L_overlay_start_2:
0x9a: {  	(tag) =	ssettag $0x2  }
0x9b: {  	s0 =	rddreg [dreg:$0x0];
	s2 =	stileid.u32  }
0x9c: {  	s1 =	rddreg [dreg:$0x1];
	p0 =	sne.s32 s2, $0x0  }
0x9d: {  	s3 =	rddreg [dreg:$0x2];
	[bflag:$0x3] =	sbarrier.arrive $0xFFFF;
	s2 =	simm.s32 @!p0 $0x1C01  }
0x9e: {  	[timem:s3], [sflag:s2] =	dma.local @!p0 [hbm:s0], s1  }
0x9f: {  	s0 =	simm.s32 @!p0 $0x1  }
0xa0: {  	_ =	swait.ge @!p0 [sflag:s0], s1  }
0xa1: {  	s1 =	ssub.s32 @!p0 $0x0, s1;
	[sflag:s0] =	ssyncset.done @!p0 $0x0  }
0xa2: {  	[sflag:s0] =	ssyncadd.s32 @!p0 s1  }
0xa3: {  	[bflag:$0x3] =	sbarrier.arrive $0xFFFF  }
0xa4: {  	_ =	shalt  }

</sc_bundles>
